<compile_context>
chip_gen: v7x
topology: tpu7x:2x2x1
jax: 0.10.2.dev20260603
libtpu: 0.0.44.dev20260713+nightly
codegen_flags: <defaults>
</compile_context>

<pallas_src>
import functools

import jax
import jax.numpy as jnp
from jax import lax
from jax.experimental import pallas as pl
from jax.experimental.pallas import tpu as pltpu
from jax.experimental.pallas import tpu_sc as plsc

N = 16384
NCAT = 26
NNUM = 13
NCOL = NCAT + NNUM
VOCAB = 1000
C = 128
NW = 32
RPW = N // NW
HR = RPW // 2
NCH = 2 * NCAT
IPD = 128
GPC = HR // IPD
NSLOT = 3
LANES = 16
NBLK = 16384

_mesh = plsc.VectorSubcoreMesh(core_axis_name="c", subcore_axis_name="s")


@functools.partial(
    pl.kernel,
    mesh=_mesh,
    out_type=jax.ShapeDtypeStruct((N * NCOL, C), jnp.float32),
    scratch_types=[
        pltpu.VMEM((NCAT * 4, IPD), jnp.int32),
        pltpu.VMEM((NSLOT, HR, C), jnp.float32),
        pltpu.SemaphoreType.DMA((NSLOT,)),
        pltpu.SemaphoreType.DMA((NSLOT,)),
    ],
)
def _encode_cat(table_hbm, idx_hbm, out_hbm, idx_v, gbuf, gsem, wsem):
    wid = lax.axis_index("s") * 2 + lax.axis_index("c")
    pltpu.sync_copy(idx_hbm.at[wid], idx_v)
    wbase = wid * RPW

    def cat_dst(t):
        return (t // 2) * N + wbase + (t % 2) * HR

    def fire_gathers(t, s):
        for q in range(GPC):
            pltpu.async_copy(table_hbm.at[idx_v.at[t * GPC + q]],
                             gbuf.at[s, pl.ds(q * IPD, IPD)], gsem.at[s])

    fire_gathers(0, 0)
    fire_gathers(1, 1)

    def chunk(t, carry):
        s = t % NSLOT

        @pl.when(t >= 1)
        def _():
            sp = (t + 2) % NSLOT
            pltpu.make_async_copy(
                gbuf.at[sp], out_hbm.at[pl.ds(cat_dst(t - 1), HR)],
                wsem.at[sp]).wait()

        @pl.when(t < NCH - 2)
        def _():
            fire_gathers(t + 2, (t + 2) % NSLOT)

        for q in range(GPC):
            pltpu.make_async_copy(table_hbm.at[idx_v.at[t * GPC + q]],
                                  gbuf.at[s, pl.ds(q * IPD, IPD)],
                                  gsem.at[s]).wait()

        pltpu.async_copy(gbuf.at[s], out_hbm.at[pl.ds(cat_dst(t), HR)],
                         wsem.at[s])
        return carry

    lax.fori_loop(0, NCH, chunk, 0)
    sl = (NCH - 1) % NSLOT
    pltpu.make_async_copy(gbuf.at[sl], out_hbm.at[pl.ds(cat_dst(NCH - 1), HR)],
                          wsem.at[sl]).wait()


def _num_body(buf_ref, fn_ref, w_ref, b_ref, out_ref):
    del buf_ref
    fn = fn_ref[...]
    out_ref[...] = fn[0, 0, :, None] * w_ref[...][0] + b_ref[...][0]


_num_fill = pl.pallas_call(
    _num_body,
    grid=(NNUM * (N // NBLK),),
    in_specs=[
        pl.BlockSpec(memory_space=pl.ANY),
        pl.BlockSpec((1, 1, NBLK),
                     lambda i: (i // (N // NBLK) * (N // NBLK)
                                + i % (N // NBLK), 0, 0)),
        pl.BlockSpec((1, 1, C), lambda i: (i // (N // NBLK), 0, 0)),
        pl.BlockSpec((1, 1, C), lambda i: (i // (N // NBLK), 0, 0)),
    ],
    out_specs=pl.BlockSpec((NBLK, C), lambda i: (NCAT * (N // NBLK) + i, 0)),
    out_shape=jax.ShapeDtypeStruct((N * NCOL, C), jnp.float32),
    input_output_aliases={0: 0},
)


def kernel(feat_cat, feat_num, emb_tables, lin_weight, lin_bias, num_mean, num_std):
    table = emb_tables.reshape(NCAT * VOCAB, C)
    offs = jnp.arange(NCAT, dtype=jnp.int32) * VOCAB
    idx = (feat_cat.astype(jnp.int32) + offs[None, :]).T
    idx = idx.reshape(NCAT, NW, 4, IPD).transpose(1, 0, 2, 3)
    idx = idx.reshape(NW, NCAT * 4, IPD)
    inv = 1.0 / num_std
    w_eff = lin_weight * inv[:, None]
    b_eff = lin_bias - (num_mean * inv)[:, None] * lin_weight
    out = _encode_cat(table, idx)
    fnum_blk = feat_num.T.reshape(NNUM * (N // NBLK), 1, NBLK)
    out = _num_fill(out, fnum_blk, w_eff[:, None, :], b_eff[:, None, :])
    return out.reshape(NCOL, N, C).transpose(1, 0, 2)

# --- scband reference (transcript-rebuilt; emitter-appended) ---
"""Pipeline reference for scband-feature-encoding-part-9199819948059 (READ-ONLY COPY).

The authoritative reference and input builder live on the scoring server;
editing this copy changes nothing except your own understanding.
"""

import jax, jax.numpy as jnp
import numpy as np

N = 16384
NUM_CAT = 26
NUM_NUM = 13
VOCAB = 1000
C = 128


def setup_inputs(seed: int = 0) -> dict:
    key = jax.random.key(seed)
    k1, k2, k3, k4, k5 = jax.random.split(key, 5)
    feat_cat = jax.random.randint(k1, (N, NUM_CAT), 0, VOCAB)
    feat_num = jax.random.normal(k2, (N, NUM_NUM), dtype=jnp.float32)
    # Learned parameters: one embedding table per categorical column (EmbeddingEncoder),
    # one (weight, bias) pair per numerical column (LinearEncoder), plus col stats.
    emb_tables = jax.random.normal(k3, (NUM_CAT, VOCAB, C), dtype=jnp.float32) * 0.1
    lin_weight = jax.random.normal(k4, (NUM_NUM, C), dtype=jnp.float32) * 0.1
    lin_bias = jax.random.normal(k5, (NUM_NUM, C), dtype=jnp.float32) * 0.01
    num_mean = jnp.zeros((NUM_NUM,), dtype=jnp.float32)
    num_std = jnp.ones((NUM_NUM,), dtype=jnp.float32)
    return {
        "feat_cat": feat_cat,
        "feat_num": feat_num,
        "emb_tables": emb_tables,
        "lin_weight": lin_weight,
        "lin_bias": lin_bias,
        "num_mean": num_mean,
        "num_std": num_std,
    }


def reference(feat_cat, feat_num, emb_tables, lin_weight, lin_bias, num_mean, num_std):
    # StypeWiseFeatureEncoder for a single node type:
    # categorical columns -> per-column embedding lookup (EmbeddingEncoder)
    flat_tables = emb_tables.reshape(NUM_CAT * VOCAB, C)
    offsets = jnp.arange(NUM_CAT, dtype=feat_cat.dtype) * VOCAB
    x_cat = jnp.take(flat_tables, feat_cat + offsets[None, :], axis=0)  # [N, NUM_CAT, C]
    # numerical columns -> standardize by col stats then per-column linear map (LinearEncoder)
    xn = (feat_num - num_mean[None, :]) / num_std[None, :]
    x_num = xn[:, :, None] * lin_weight[None, :, :] + lin_bias[None, :, :]  # [N, NUM_NUM, C]
    # concatenate along the column axis -> x of shape [N, num_cols, channels]
    x = jnp.concatenate([x_cat, x_num], axis=1)
    return x

if __name__ == "__main__":
    import jax
    _d = setup_inputs()
    print(jax.jit(kernel)(*tuple(_d.values())))

</pallas_src>

<mosaic_0001>
#map = affine_map<(d0, d1) -> (0, 0)>
#map1 = affine_map<(d0, d1) -> (0, 0, 0)>
module attributes {stable_mosaic.version = 14 : i64} {
  func.func @_encode_cat(%arg0: i32, %arg1: i32, %arg2: memref<26000x128xf32, #tpu.memory_space<hbm>>, %arg3: memref<32x104x128xi32, #tpu.memory_space<hbm>>, %arg4: memref<638976x128xf32, #tpu.memory_space<hbm>>, %arg5: memref<104x128xi32, #tpu.memory_space<vmem>>, %arg6: memref<3x256x128xf32, #tpu.memory_space<vmem>>, %arg7: memref<3x!tpu.dma_semaphore, #tpu.memory_space<semaphore_mem>>, %arg8: memref<3x!tpu.dma_semaphore, #tpu.memory_space<semaphore_mem>>) attributes {dimension_semantics = [#tpu.dimension_semantics<core_parallel>, #tpu.dimension_semantics<subcore_parallel>], iteration_bounds = array<i64: 2, 16>, scalar_prefetch = 0 : i64, scratch_operands = 4 : i64, tpu.core_type = #tpu.core_type<sc_vector_subcore>, window_params = [{transform_indices = #map}, {transform_indices = #map1}, {transform_indices = #map}]} {
    %mul3A = arith.constant 2 : i32
    %mul3A_0 = arith.muli %arg1, %mul3A : i32
    %add3A = arith.addi %mul3A_0, %arg0 : i32
    "tpu.region"() ({
      %run_scoped3A = tpu.sem_alloc : memref<!tpu.dma_semaphore, #tpu.memory_space<semaphore_mem>>
      %dma_start3A_86 = arith.constant 0 : i32
      %dma_start3A_87 = arith.constant 0 : i32
      %dma_start3A_88 = tpu.memref_slice %arg3[%add3A, %dma_start3A_86, %dma_start3A_87] : memref<32x104x128xi32, #tpu.memory_space<hbm>> -> memref<1x104x128xi32, #tpu.memory_space<hbm>>
      %dma_start3A_89 = tpu.memref_squeeze %dma_start3A_88 : memref<1x104x128xi32, #tpu.memory_space<hbm>> -> memref<104x128xi32, #tpu.memory_space<hbm>>
      %dma_start3A_90 = arith.constant 0 : i32
      %dma_start3A_91 = arith.constant 0 : i32
      %dma_start3A_92 = tpu.memref_slice %arg3[%add3A, %dma_start3A_90, %dma_start3A_91] : memref<32x104x128xi32, #tpu.memory_space<hbm>> -> memref<1x104x128xi32, #tpu.memory_space<hbm>>
      %dma_start3A_93 = tpu.memref_squeeze %dma_start3A_92 : memref<1x104x128xi32, #tpu.memory_space<hbm>> -> memref<104x128xi32, #tpu.memory_space<hbm>>
      tpu.enqueue_dma source(%dma_start3A_93 : memref<104x128xi32, #tpu.memory_space<hbm>>) target(%arg5 : memref<104x128xi32, #tpu.memory_space<vmem>>) target_semaphore(%run_scoped3A : memref<!tpu.dma_semaphore, #tpu.memory_space<semaphore_mem>>)
      %dma_wait3A_94 = arith.constant 0 : i32
      %dma_wait3A_95 = arith.constant 0 : i32
      %dma_wait3A_96 = tpu.memref_slice %arg3[%add3A, %dma_wait3A_94, %dma_wait3A_95] : memref<32x104x128xi32, #tpu.memory_space<hbm>> -> memref<1x104x128xi32, #tpu.memory_space<hbm>>
      %dma_wait3A_97 = tpu.memref_squeeze %dma_wait3A_96 : memref<1x104x128xi32, #tpu.memory_space<hbm>> -> memref<104x128xi32, #tpu.memory_space<hbm>>
      %dma_wait3A_98 = arith.constant 0 : i32
      %dma_wait3A_99 = arith.constant 0 : i32
      %dma_wait3A_100 = tpu.memref_slice %arg3[%add3A, %dma_wait3A_98, %dma_wait3A_99] : memref<32x104x128xi32, #tpu.memory_space<hbm>> -> memref<1x104x128xi32, #tpu.memory_space<hbm>>
      %dma_wait3A_101 = tpu.memref_squeeze %dma_wait3A_100 : memref<1x104x128xi32, #tpu.memory_space<hbm>> -> memref<104x128xi32, #tpu.memory_space<hbm>>
      tpu.wait_dma2 semaphore(%run_scoped3A : memref<!tpu.dma_semaphore, #tpu.memory_space<semaphore_mem>>) src(%dma_wait3A_101 : memref<104x128xi32, #tpu.memory_space<hbm>>) dst(%arg5 : memref<104x128xi32, #tpu.memory_space<vmem>>)
      tpu.yield
    }) : () -> ()
    %mul3A_1 = arith.constant 512 : i32
    %mul3A_2 = arith.muli %add3A, %mul3A_1 : i32
    %dma_start3A = arith.constant 0 : i32
    %dma_start3A_3 = arith.constant 0 : i32
    %dma_start3A_4 = arith.constant 0 : i32
    %dma_start3A_5 = arith.constant 0 : i32
    %dma_start3A_6 = arith.constant 0 : i32
    %dma_start3A_7 = tpu.memref_slice %arg6[%dma_start3A_3, %dma_start3A_5, %dma_start3A_6] : memref<3x256x128xf32, #tpu.memory_space<vmem>> -> memref<1x128x128xf32, #tpu.memory_space<vmem>>
    %dma_start3A_8 = tpu.memref_squeeze %dma_start3A_7 : memref<1x128x128xf32, #tpu.memory_space<vmem>> -> memref<128x128xf32, #tpu.memory_space<vmem>>
    %dma_start3A_9 = arith.constant 0 : i32
    %dma_start3A_10 = tpu.memref_slice %arg5[%dma_start3A, %dma_start3A_9] : memref<104x128xi32, #tpu.memory_space<vmem>> -> memref<1x128xi32, #tpu.memory_space<vmem>>
    %dma_start3A_11 = tpu.memref_squeeze %dma_start3A_10 : memref<1x128xi32, #tpu.memory_space<vmem>> -> memref<128xi32, #tpu.memory_space<vmem>>
    %dma_start3A_12 = arith.constant 0 : i32
    %dma_start3A_13 = arith.constant 0 : i32
    %dma_start3A_14 = tpu.memref_slice %arg2[%dma_start3A_12, %dma_start3A_13] : memref<26000x128xf32, #tpu.memory_space<hbm>> -> memref<26000x128xf32, #tpu.memory_space<hbm>>
    %dma_start3A_15 = tpu.memref_slice %arg7[%dma_start3A_4] : memref<3x!tpu.dma_semaphore, #tpu.memory_space<semaphore_mem>> -> memref<1x!tpu.dma_semaphore, #tpu.memory_space<semaphore_mem>>
    %dma_start3A_16 = tpu.memref_squeeze %dma_start3A_15 : memref<1x!tpu.dma_semaphore, #tpu.memory_space<semaphore_mem>> -> memref<!tpu.dma_semaphore, #tpu.memory_space<semaphore_mem>>
    tpu.enqueue_indirect_dma source(%dma_start3A_14 : memref<26000x128xf32, #tpu.memory_space<hbm>>) target(%dma_start3A_8 : memref<128x128xf32, #tpu.memory_space<vmem>>) offsets(%dma_start3A_11 : memref<128xi32, #tpu.memory_space<vmem>>) semaphore(%dma_start3A_16 : memref<!tpu.dma_semaphore, #tpu.memory_space<semaphore_mem>>)
    %dma_start3A_17 = arith.constant 1 : i32
    %dma_start3A_18 = arith.constant 0 : i32
    %dma_start3A_19 = arith.constant 0 : i32
    %dma_start3A_20 = arith.constant 128 : i32
    %dma_start3A_21 = arith.constant 0 : i32
    %dma_start3A_22 = tpu.memref_slice %arg6[%dma_start3A_18, %dma_start3A_20, %dma_start3A_21] : memref<3x256x128xf32, #tpu.memory_space<vmem>> -> memref<1x128x128xf32, #tpu.memory_space<vmem>>
    %dma_start3A_23 = tpu.memref_squeeze %dma_start3A_22 : memref<1x128x128xf32, #tpu.memory_space<vmem>> -> memref<128x128xf32, #tpu.memory_space<vmem>>
    %dma_start3A_24 = arith.constant 0 : i32
    %dma_start3A_25 = tpu.memref_slice %arg5[%dma_start3A_17, %dma_start3A_24] : memref<104x128xi32, #tpu.memory_space<vmem>> -> memref<1x128xi32, #tpu.memory_space<vmem>>
    %dma_start3A_26 = tpu.memref_squeeze %dma_start3A_25 : memref<1x128xi32, #tpu.memory_space<vmem>> -> memref<128xi32, #tpu.memory_space<vmem>>
    %dma_start3A_27 = arith.constant 0 : i32
    %dma_start3A_28 = arith.constant 0 : i32
    %dma_start3A_29 = tpu.memref_slice %arg2[%dma_start3A_27, %dma_start3A_28] : memref<26000x128xf32, #tpu.memory_space<hbm>> -> memref<26000x128xf32, #tpu.memory_space<hbm>>
    %dma_start3A_30 = tpu.memref_slice %arg7[%dma_start3A_19] : memref<3x!tpu.dma_semaphore, #tpu.memory_space<semaphore_mem>> -> memref<1x!tpu.dma_semaphore, #tpu.memory_space<semaphore_mem>>
    %dma_start3A_31 = tpu.memref_squeeze %dma_start3A_30 : memref<1x!tpu.dma_semaphore, #tpu.memory_space<semaphore_mem>> -> memref<!tpu.dma_semaphore, #tpu.memory_space<semaphore_mem>>
    tpu.enqueue_indirect_dma source(%dma_start3A_29 : memref<26000x128xf32, #tpu.memory_space<hbm>>) target(%dma_start3A_23 : memref<128x128xf32, #tpu.memory_space<vmem>>) offsets(%dma_start3A_26 : memref<128xi32, #tpu.memory_space<vmem>>) semaphore(%dma_start3A_31 : memref<!tpu.dma_semaphore, #tpu.memory_space<semaphore_mem>>)
    %dma_start3A_32 = arith.constant 2 : i32
    %dma_start3A_33 = arith.constant 1 : i32
    %dma_start3A_34 = arith.constant 1 : i32
    %dma_start3A_35 = arith.constant 0 : i32
    %dma_start3A_36 = arith.constant 0 : i32
    %dma_start3A_37 = tpu.memref_slice %arg6[%dma_start3A_33, %dma_start3A_35, %dma_start3A_36] : memref<3x256x128xf32, #tpu.memory_space<vmem>> -> memref<1x128x128xf32, #tpu.memory_space<vmem>>
    %dma_start3A_38 = tpu.memref_squeeze %dma_start3A_37 : memref<1x128x128xf32, #tpu.memory_space<vmem>> -> memref<128x128xf32, #tpu.memory_space<vmem>>
    %dma_start3A_39 = arith.constant 0 : i32
    %dma_start3A_40 = tpu.memref_slice %arg5[%dma_start3A_32, %dma_start3A_39] : memref<104x128xi32, #tpu.memory_space<vmem>> -> memref<1x128xi32, #tpu.memory_space<vmem>>
    %dma_start3A_41 = tpu.memref_squeeze %dma_start3A_40 : memref<1x128xi32, #tpu.memory_space<vmem>> -> memref<128xi32, #tpu.memory_space<vmem>>
    %dma_start3A_42 = arith.constant 0 : i32
    %dma_start3A_43 = arith.constant 0 : i32
    %dma_start3A_44 = tpu.memref_slice %arg2[%dma_start3A_42, %dma_start3A_43] : memref<26000x128xf32, #tpu.memory_space<hbm>> -> memref<26000x128xf32, #tpu.memory_space<hbm>>
    %dma_start3A_45 = tpu.memref_slice %arg7[%dma_start3A_34] : memref<3x!tpu.dma_semaphore, #tpu.memory_space<semaphore_mem>> -> memref<1x!tpu.dma_semaphore, #tpu.memory_space<semaphore_mem>>
    %dma_start3A_46 = tpu.memref_squeeze %dma_start3A_45 : memref<1x!tpu.dma_semaphore, #tpu.memory_space<semaphore_mem>> -> memref<!tpu.dma_semaphore, #tpu.memory_space<semaphore_mem>>
    tpu.enqueue_indirect_dma source(%dma_start3A_44 : memref<26000x128xf32, #tpu.memory_space<hbm>>) target(%dma_start3A_38 : memref<128x128xf32, #tpu.memory_space<vmem>>) offsets(%dma_start3A_41 : memref<128xi32, #tpu.memory_space<vmem>>) semaphore(%dma_start3A_46 : memref<!tpu.dma_semaphore, #tpu.memory_space<semaphore_mem>>)
    %dma_start3A_47 = arith.constant 3 : i32
    %dma_start3A_48 = arith.constant 1 : i32
    %dma_start3A_49 = arith.constant 1 : i32
    %dma_start3A_50 = arith.constant 128 : i32
    %dma_start3A_51 = arith.constant 0 : i32
    %dma_start3A_52 = tpu.memref_slice %arg6[%dma_start3A_48, %dma_start3A_50, %dma_start3A_51] : memref<3x256x128xf32, #tpu.memory_space<vmem>> -> memref<1x128x128xf32, #tpu.memory_space<vmem>>
    %dma_start3A_53 = tpu.memref_squeeze %dma_start3A_52 : memref<1x128x128xf32, #tpu.memory_space<vmem>> -> memref<128x128xf32, #tpu.memory_space<vmem>>
    %dma_start3A_54 = arith.constant 0 : i32
    %dma_start3A_55 = tpu.memref_slice %arg5[%dma_start3A_47, %dma_start3A_54] : memref<104x128xi32, #tpu.memory_space<vmem>> -> memref<1x128xi32, #tpu.memory_space<vmem>>
    %dma_start3A_56 = tpu.memref_squeeze %dma_start3A_55 : memref<1x128xi32, #tpu.memory_space<vmem>> -> memref<128xi32, #tpu.memory_space<vmem>>
    %dma_start3A_57 = arith.constant 0 : i32
    %dma_start3A_58 = arith.constant 0 : i32
    %dma_start3A_59 = tpu.memref_slice %arg2[%dma_start3A_57, %dma_start3A_58] : memref<26000x128xf32, #tpu.memory_space<hbm>> -> memref<26000x128xf32, #tpu.memory_space<hbm>>
    %dma_start3A_60 = tpu.memref_slice %arg7[%dma_start3A_49] : memref<3x!tpu.dma_semaphore, #tpu.memory_space<semaphore_mem>> -> memref<1x!tpu.dma_semaphore, #tpu.memory_space<semaphore_mem>>
    %dma_start3A_61 = tpu.memref_squeeze %dma_start3A_60 : memref<1x!tpu.dma_semaphore, #tpu.memory_space<semaphore_mem>> -> memref<!tpu.dma_semaphore, #tpu.memory_space<semaphore_mem>>
    tpu.enqueue_indirect_dma source(%dma_start3A_59 : memref<26000x128xf32, #tpu.memory_space<hbm>>) target(%dma_start3A_53 : memref<128x128xf32, #tpu.memory_space<vmem>>) offsets(%dma_start3A_56 : memref<128xi32, #tpu.memory_space<vmem>>) semaphore(%dma_start3A_61 : memref<!tpu.dma_semaphore, #tpu.memory_space<semaphore_mem>>)
    %scan3A = arith.constant 0 : i32
    %scan3A_62 = arith.constant 0 : i32
    %scan3A_63 = arith.constant 52 : i32
    %scan3A_64 = arith.addi %scan3A_62, %scan3A_63 : i32
    %scan3A_65 = arith.constant 1 : i32
    scf.for %scan3A_86 = %scan3A_62 to %scan3A_64 step %scan3A_65  : i32 {
      %jit3A = arith.constant 3 : i32
      %eq3A = arith.constant 0 : i32
      %eq3A_87 = arith.cmpi eq, %jit3A, %eq3A : i32
      %jit3A_88 = arith.constant 1 : i32
      %select_n3A = arith.select %eq3A_87, %jit3A_88, %jit3A : i32
      %rem3A = arith.remsi %scan3A_86, %select_n3A : i32
      %ne3A = arith.constant 0 : i32
      %ne3A_89 = arith.cmpi ne, %rem3A, %ne3A : i32
      %lt3A = arith.constant 0 : i32
      %lt3A_90 = arith.cmpi slt, %rem3A, %lt3A : i32
      %lt3A_91 = arith.constant 0 : i32
      %lt3A_92 = arith.cmpi slt, %select_n3A, %lt3A_91 : i32
      %ne3A_93 = arith.xori %lt3A_90, %lt3A_92 : i1
      %and3A = arith.andi %ne3A_93, %ne3A_89 : i1
      %add3A_94 = arith.addi %rem3A, %select_n3A : i32
      %select_n3A_95 = arith.select %and3A, %add3A_94, %rem3A : i32
      %ge3A = arith.constant 1 : i32
      %ge3A_96 = arith.cmpi sge, %scan3A_86, %ge3A : i32
      %convert_element_type3A = arith.extui %ge3A_96 : i1 to i32
      %cond3A = arith.constant 0 : i32
      %cond3A_97 = arith.cmpi ne, %convert_element_type3A, %cond3A : i32
      scf.if %cond3A_97 {
        %add3A_192 = arith.constant 2 : i32
        %add3A_193 = arith.addi %scan3A_86, %add3A_192 : i32
        %jit3A_194 = arith.constant 3 : i32
        %eq3A_195 = arith.constant 0 : i32
        %eq3A_196 = arith.cmpi eq, %jit3A_194, %eq3A_195 : i32
        %jit3A_197 = arith.constant 1 : i32
        %select_n3A_198 = arith.select %eq3A_196, %jit3A_197, %jit3A_194 : i32
        %rem3A_199 = arith.remsi %add3A_193, %select_n3A_198 : i32
        %ne3A_200 = arith.constant 0 : i32
        %ne3A_201 = arith.cmpi ne, %rem3A_199, %ne3A_200 : i32
        %lt3A_202 = arith.constant 0 : i32
        %lt3A_203 = arith.cmpi slt, %rem3A_199, %lt3A_202 : i32
        %lt3A_204 = arith.constant 0 : i32
        %lt3A_205 = arith.cmpi slt, %select_n3A_198, %lt3A_204 : i32
        %ne3A_206 = arith.xori %lt3A_203, %lt3A_205 : i1
        %and3A_207 = arith.andi %ne3A_206, %ne3A_201 : i1
        %add3A_208 = arith.addi %rem3A_199, %select_n3A_198 : i32
        %select_n3A_209 = arith.select %and3A_207, %add3A_208, %rem3A_199 : i32
        %sub3A_210 = arith.constant 1 : i32
        %sub3A_211 = arith.subi %scan3A_86, %sub3A_210 : i32
        %jit3A_212 = arith.constant 2 : i32
        %div3A_213 = arith.divsi %sub3A_211, %jit3A_212 : i32
        %sign3A_214 = arith.constant 0 : i32
        %sign3A_215 = arith.cmpi sgt, %sub3A_211, %sign3A_214 : i32
        %sign3A_216 = arith.extui %sign3A_215 : i1 to i32
        %sign3A_217 = arith.constant 0 : i32
        %sign3A_218 = arith.cmpi slt, %sub3A_211, %sign3A_217 : i32
        %sign3A_219 = arith.extui %sign3A_218 : i1 to i32
        %sign3A_220 = arith.subi %sign3A_216, %sign3A_219 : i32
        %sign3A_221 = arith.constant 0 : i32
        %sign3A_222 = arith.cmpi sgt, %jit3A_212, %sign3A_221 : i32
        %sign3A_223 = arith.extui %sign3A_222 : i1 to i32
        %sign3A_224 = arith.constant 0 : i32
        %sign3A_225 = arith.cmpi slt, %jit3A_212, %sign3A_224 : i32
        %sign3A_226 = arith.extui %sign3A_225 : i1 to i32
        %sign3A_227 = arith.subi %sign3A_223, %sign3A_226 : i32
        %ne3A_228 = arith.cmpi ne, %sign3A_220, %sign3A_227 : i32
        %rem3A_229 = arith.remsi %sub3A_211, %jit3A_212 : i32
        %ne3A_230 = arith.constant 0 : i32
        %ne3A_231 = arith.cmpi ne, %rem3A_229, %ne3A_230 : i32
        %and3A_232 = arith.andi %ne3A_228, %ne3A_231 : i1
        %sub3A_233 = arith.constant 1 : i32
        %sub3A_234 = arith.subi %div3A_213, %sub3A_233 : i32
        %select_n3A_235 = arith.select %and3A_232, %sub3A_234, %div3A_213 : i32
        %mul3A_236 = arith.constant 16384 : i32
        %mul3A_237 = arith.muli %select_n3A_235, %mul3A_236 : i32
        %add3A_238 = arith.addi %mul3A_237, %mul3A_2 : i32
        %jit3A_239 = arith.constant 2 : i32
        %eq3A_240 = arith.constant 0 : i32
        %eq3A_241 = arith.cmpi eq, %jit3A_239, %eq3A_240 : i32
        %jit3A_242 = arith.constant 1 : i32
        %select_n3A_243 = arith.select %eq3A_241, %jit3A_242, %jit3A_239 : i32
        %rem3A_244 = arith.remsi %sub3A_211, %select_n3A_243 : i32
        %ne3A_245 = arith.constant 0 : i32
        %ne3A_246 = arith.cmpi ne, %rem3A_244, %ne3A_245 : i32
        %lt3A_247 = arith.constant 0 : i32
        %lt3A_248 = arith.cmpi slt, %rem3A_244, %lt3A_247 : i32
        %lt3A_249 = arith.constant 0 : i32
        %lt3A_250 = arith.cmpi slt, %select_n3A_243, %lt3A_249 : i32
        %ne3A_251 = arith.xori %lt3A_248, %lt3A_250 : i1
        %and3A_252 = arith.andi %ne3A_251, %ne3A_246 : i1
        %add3A_253 = arith.addi %rem3A_244, %select_n3A_243 : i32
        %select_n3A_254 = arith.select %and3A_252, %add3A_253, %rem3A_244 : i32
        %mul3A_255 = arith.constant 256 : i32
        %mul3A_256 = arith.muli %select_n3A_254, %mul3A_255 : i32
        %add3A_257 = arith.addi %add3A_238, %mul3A_256 : i32
        %dma_wait3A_258 = arith.constant 0 : i32
        %dma_wait3A_259 = arith.constant 0 : i32
        %dma_wait3A_260 = tpu.memref_slice %arg6[%select_n3A_209, %dma_wait3A_258, %dma_wait3A_259] : memref<3x256x128xf32, #tpu.memory_space<vmem>> -> memref<1x256x128xf32, #tpu.memory_space<vmem>>
        %dma_wait3A_261 = tpu.memref_squeeze %dma_wait3A_260 : memref<1x256x128xf32, #tpu.memory_space<vmem>> -> memref<256x128xf32, #tpu.memory_space<vmem>>
        %dma_wait3A_262 = arith.constant 0 : i32
        %dma_wait3A_263 = tpu.memref_slice %arg4[%add3A_257, %dma_wait3A_262] : memref<638976x128xf32, #tpu.memory_space<hbm>> -> memref<256x128xf32, #tpu.memory_space<hbm>>
        %dma_wait3A_264 = tpu.memref_slice %arg8[%select_n3A_209] : memref<3x!tpu.dma_semaphore, #tpu.memory_space<semaphore_mem>> -> memref<1x!tpu.dma_semaphore, #tpu.memory_space<semaphore_mem>>
        %dma_wait3A_265 = tpu.memref_squeeze %dma_wait3A_264 : memref<1x!tpu.dma_semaphore, #tpu.memory_space<semaphore_mem>> -> memref<!tpu.dma_semaphore, #tpu.memory_space<semaphore_mem>>
        %dma_wait3A_266 = arith.constant 0 : i32
        %dma_wait3A_267 = tpu.memref_slice %arg4[%add3A_257, %dma_wait3A_266] : memref<638976x128xf32, #tpu.memory_space<hbm>> -> memref<256x128xf32, #tpu.memory_space<hbm>>
        %dma_wait3A_268 = arith.constant 0 : i32
        %dma_wait3A_269 = arith.constant 0 : i32
        %dma_wait3A_270 = tpu.memref_slice %arg6[%select_n3A_209, %dma_wait3A_268, %dma_wait3A_269] : memref<3x256x128xf32, #tpu.memory_space<vmem>> -> memref<1x256x128xf32, #tpu.memory_space<vmem>>
        %dma_wait3A_271 = tpu.memref_squeeze %dma_wait3A_270 : memref<1x256x128xf32, #tpu.memory_space<vmem>> -> memref<256x128xf32, #tpu.memory_space<vmem>>
        tpu.wait_dma2 semaphore(%dma_wait3A_265 : memref<!tpu.dma_semaphore, #tpu.memory_space<semaphore_mem>>) src(%dma_wait3A_271 : memref<256x128xf32, #tpu.memory_space<vmem>>) dst(%dma_wait3A_267 : memref<256x128xf32, #tpu.memory_space<hbm>>)
      } else {
      }
      %lt3A_98 = arith.constant 50 : i32
      %lt3A_99 = arith.cmpi slt, %scan3A_86, %lt3A_98 : i32
      %convert_element_type3A_100 = arith.extui %lt3A_99 : i1 to i32
      %cond3A_101 = arith.constant 0 : i32
      %cond3A_102 = arith.cmpi ne, %convert_element_type3A_100, %cond3A_101 : i32
      scf.if %cond3A_102 {
        %add3A_192 = arith.constant 2 : i32
        %add3A_193 = arith.addi %scan3A_86, %add3A_192 : i32
        %add3A_194 = arith.constant 2 : i32
        %add3A_195 = arith.addi %scan3A_86, %add3A_194 : i32
        %jit3A_196 = arith.constant 3 : i32
        %eq3A_197 = arith.constant 0 : i32
        %eq3A_198 = arith.cmpi eq, %jit3A_196, %eq3A_197 : i32
        %jit3A_199 = arith.constant 1 : i32
        %select_n3A_200 = arith.select %eq3A_198, %jit3A_199, %jit3A_196 : i32
        %rem3A_201 = arith.remsi %add3A_195, %select_n3A_200 : i32
        %ne3A_202 = arith.constant 0 : i32
        %ne3A_203 = arith.cmpi ne, %rem3A_201, %ne3A_202 : i32
        %lt3A_204 = arith.constant 0 : i32
        %lt3A_205 = arith.cmpi slt, %rem3A_201, %lt3A_204 : i32
        %lt3A_206 = arith.constant 0 : i32
        %lt3A_207 = arith.cmpi slt, %select_n3A_200, %lt3A_206 : i32
        %ne3A_208 = arith.xori %lt3A_205, %lt3A_207 : i1
        %and3A_209 = arith.andi %ne3A_208, %ne3A_203 : i1
        %add3A_210 = arith.addi %rem3A_201, %select_n3A_200 : i32
        %select_n3A_211 = arith.select %and3A_209, %add3A_210, %rem3A_201 : i32
        %mul3A_212 = arith.constant 2 : i32
        %mul3A_213 = arith.muli %add3A_193, %mul3A_212 : i32
        %add3A_214 = arith.constant 0 : i32
        %add3A_215 = arith.addi %mul3A_213, %add3A_214 : i32
        %dma_start3A_216 = arith.constant 0 : i32
        %dma_start3A_217 = arith.constant 0 : i32
        %dma_start3A_218 = tpu.memref_slice %arg6[%select_n3A_211, %dma_start3A_216, %dma_start3A_217] : memref<3x256x128xf32, #tpu.memory_space<vmem>> -> memref<1x128x128xf32, #tpu.memory_space<vmem>>
        %dma_start3A_219 = tpu.memref_squeeze %dma_start3A_218 : memref<1x128x128xf32, #tpu.memory_space<vmem>> -> memref<128x128xf32, #tpu.memory_space<vmem>>
        %dma_start3A_220 = arith.constant 0 : i32
        %dma_start3A_221 = tpu.memref_slice %arg5[%add3A_215, %dma_start3A_220] : memref<104x128xi32, #tpu.memory_space<vmem>> -> memref<1x128xi32, #tpu.memory_space<vmem>>
        %dma_start3A_222 = tpu.memref_squeeze %dma_start3A_221 : memref<1x128xi32, #tpu.memory_space<vmem>> -> memref<128xi32, #tpu.memory_space<vmem>>
        %dma_start3A_223 = arith.constant 0 : i32
        %dma_start3A_224 = arith.constant 0 : i32
        %dma_start3A_225 = tpu.memref_slice %arg2[%dma_start3A_223, %dma_start3A_224] : memref<26000x128xf32, #tpu.memory_space<hbm>> -> memref<26000x128xf32, #tpu.memory_space<hbm>>
        %dma_start3A_226 = tpu.memref_slice %arg7[%select_n3A_211] : memref<3x!tpu.dma_semaphore, #tpu.memory_space<semaphore_mem>> -> memref<1x!tpu.dma_semaphore, #tpu.memory_space<semaphore_mem>>
        %dma_start3A_227 = tpu.memref_squeeze %dma_start3A_226 : memref<1x!tpu.dma_semaphore, #tpu.memory_space<semaphore_mem>> -> memref<!tpu.dma_semaphore, #tpu.memory_space<semaphore_mem>>
        tpu.enqueue_indirect_dma source(%dma_start3A_225 : memref<26000x128xf32, #tpu.memory_space<hbm>>) target(%dma_start3A_219 : memref<128x128xf32, #tpu.memory_space<vmem>>) offsets(%dma_start3A_222 : memref<128xi32, #tpu.memory_space<vmem>>) semaphore(%dma_start3A_227 : memref<!tpu.dma_semaphore, #tpu.memory_space<semaphore_mem>>)
        %mul3A_228 = arith.constant 2 : i32
        %mul3A_229 = arith.muli %add3A_193, %mul3A_228 : i32
        %add3A_230 = arith.constant 1 : i32
        %add3A_231 = arith.addi %mul3A_229, %add3A_230 : i32
        %dma_start3A_232 = arith.constant 128 : i32
        %dma_start3A_233 = arith.constant 0 : i32
        %dma_start3A_234 = tpu.memref_slice %arg6[%select_n3A_211, %dma_start3A_232, %dma_start3A_233] : memref<3x256x128xf32, #tpu.memory_space<vmem>> -> memref<1x128x128xf32, #tpu.memory_space<vmem>>
        %dma_start3A_235 = tpu.memref_squeeze %dma_start3A_234 : memref<1x128x128xf32, #tpu.memory_space<vmem>> -> memref<128x128xf32, #tpu.memory_space<vmem>>
        %dma_start3A_236 = arith.constant 0 : i32
        %dma_start3A_237 = tpu.memref_slice %arg5[%add3A_231, %dma_start3A_236] : memref<104x128xi32, #tpu.memory_space<vmem>> -> memref<1x128xi32, #tpu.memory_space<vmem>>
        %dma_start3A_238 = tpu.memref_squeeze %dma_start3A_237 : memref<1x128xi32, #tpu.memory_space<vmem>> -> memref<128xi32, #tpu.memory_space<vmem>>
        %dma_start3A_239 = arith.constant 0 : i32
        %dma_start3A_240 = arith.constant 0 : i32
        %dma_start3A_241 = tpu.memref_slice %arg2[%dma_start3A_239, %dma_start3A_240] : memref<26000x128xf32, #tpu.memory_space<hbm>> -> memref<26000x128xf32, #tpu.memory_space<hbm>>
        %dma_start3A_242 = tpu.memref_slice %arg7[%select_n3A_211] : memref<3x!tpu.dma_semaphore, #tpu.memory_space<semaphore_mem>> -> memref<1x!tpu.dma_semaphore, #tpu.memory_space<semaphore_mem>>
        %dma_start3A_243 = tpu.memref_squeeze %dma_start3A_242 : memref<1x!tpu.dma_semaphore, #tpu.memory_space<semaphore_mem>> -> memref<!tpu.dma_semaphore, #tpu.memory_space<semaphore_mem>>
        tpu.enqueue_indirect_dma source(%dma_start3A_241 : memref<26000x128xf32, #tpu.memory_space<hbm>>) target(%dma_start3A_235 : memref<128x128xf32, #tpu.memory_space<vmem>>) offsets(%dma_start3A_238 : memref<128xi32, #tpu.memory_space<vmem>>) semaphore(%dma_start3A_243 : memref<!tpu.dma_semaphore, #tpu.memory_space<semaphore_mem>>)
      } else {
      }
      %mul3A_103 = arith.constant 2 : i32
      %mul3A_104 = arith.muli %scan3A_86, %mul3A_103 : i32
      %add3A_105 = arith.constant 0 : i32
      %add3A_106 = arith.addi %mul3A_104, %add3A_105 : i32
      %dma_wait3A_107 = arith.constant 0 : i32
      %dma_wait3A_108 = arith.constant 0 : i32
      %dma_wait3A_109 = tpu.memref_slice %arg6[%select_n3A_95, %dma_wait3A_107, %dma_wait3A_108] : memref<3x256x128xf32, #tpu.memory_space<vmem>> -> memref<1x128x128xf32, #tpu.memory_space<vmem>>
      %dma_wait3A_110 = tpu.memref_squeeze %dma_wait3A_109 : memref<1x128x128xf32, #tpu.memory_space<vmem>> -> memref<128x128xf32, #tpu.memory_space<vmem>>
      %dma_wait3A_111 = arith.constant 0 : i32
      %dma_wait3A_112 = tpu.memref_slice %arg5[%add3A_106, %dma_wait3A_111] : memref<104x128xi32, #tpu.memory_space<vmem>> -> memref<1x128xi32, #tpu.memory_space<vmem>>
      %dma_wait3A_113 = tpu.memref_squeeze %dma_wait3A_112 : memref<1x128xi32, #tpu.memory_space<vmem>> -> memref<128xi32, #tpu.memory_space<vmem>>
      %dma_wait3A_114 = arith.constant 0 : i32
      %dma_wait3A_115 = arith.constant 0 : i32
      %dma_wait3A_116 = tpu.memref_slice %arg2[%dma_wait3A_114, %dma_wait3A_115] : memref<26000x128xf32, #tpu.memory_space<hbm>> -> memref<26000x128xf32, #tpu.memory_space<hbm>>
      %dma_wait3A_117 = tpu.memref_slice %arg7[%select_n3A_95] : memref<3x!tpu.dma_semaphore, #tpu.memory_space<semaphore_mem>> -> memref<1x!tpu.dma_semaphore, #tpu.memory_space<semaphore_mem>>
      %dma_wait3A_118 = tpu.memref_squeeze %dma_wait3A_117 : memref<1x!tpu.dma_semaphore, #tpu.memory_space<semaphore_mem>> -> memref<!tpu.dma_semaphore, #tpu.memory_space<semaphore_mem>>
      tpu.wait_indirect_dma semaphore(%dma_wait3A_118 : memref<!tpu.dma_semaphore, #tpu.memory_space<semaphore_mem>>) src(%dma_wait3A_116 : memref<26000x128xf32, #tpu.memory_space<hbm>>) dst(%dma_wait3A_110 : memref<128x128xf32, #tpu.memory_space<vmem>>)
      %mul3A_119 = arith.constant 2 : i32
      %mul3A_120 = arith.muli %scan3A_86, %mul3A_119 : i32
      %add3A_121 = arith.constant 1 : i32
      %add3A_122 = arith.addi %mul3A_120, %add3A_121 : i32
      %dma_wait3A_123 = arith.constant 128 : i32
      %dma_wait3A_124 = arith.constant 0 : i32
      %dma_wait3A_125 = tpu.memref_slice %arg6[%select_n3A_95, %dma_wait3A_123, %dma_wait3A_124] : memref<3x256x128xf32, #tpu.memory_space<vmem>> -> memref<1x128x128xf32, #tpu.memory_space<vmem>>
      %dma_wait3A_126 = tpu.memref_squeeze %dma_wait3A_125 : memref<1x128x128xf32, #tpu.memory_space<vmem>> -> memref<128x128xf32, #tpu.memory_space<vmem>>
      %dma_wait3A_127 = arith.constant 0 : i32
      %dma_wait3A_128 = tpu.memref_slice %arg5[%add3A_122, %dma_wait3A_127] : memref<104x128xi32, #tpu.memory_space<vmem>> -> memref<1x128xi32, #tpu.memory_space<vmem>>
      %dma_wait3A_129 = tpu.memref_squeeze %dma_wait3A_128 : memref<1x128xi32, #tpu.memory_space<vmem>> -> memref<128xi32, #tpu.memory_space<vmem>>
      %dma_wait3A_130 = arith.constant 0 : i32
      %dma_wait3A_131 = arith.constant 0 : i32
      %dma_wait3A_132 = tpu.memref_slice %arg2[%dma_wait3A_130, %dma_wait3A_131] : memref<26000x128xf32, #tpu.memory_space<hbm>> -> memref<26000x128xf32, #tpu.memory_space<hbm>>
      %dma_wait3A_133 = tpu.memref_slice %arg7[%select_n3A_95] : memref<3x!tpu.dma_semaphore, #tpu.memory_space<semaphore_mem>> -> memref<1x!tpu.dma_semaphore, #tpu.memory_space<semaphore_mem>>
      %dma_wait3A_134 = tpu.memref_squeeze %dma_wait3A_133 : memref<1x!tpu.dma_semaphore, #tpu.memory_space<semaphore_mem>> -> memref<!tpu.dma_semaphore, #tpu.memory_space<semaphore_mem>>
      tpu.wait_indirect_dma semaphore(%dma_wait3A_134 : memref<!tpu.dma_semaphore, #tpu.memory_space<semaphore_mem>>) src(%dma_wait3A_132 : memref<26000x128xf32, #tpu.memory_space<hbm>>) dst(%dma_wait3A_126 : memref<128x128xf32, #tpu.memory_space<vmem>>)
      %jit3A_135 = arith.constant 2 : i32
      %div3A = arith.divsi %scan3A_86, %jit3A_135 : i32
      %sign3A = arith.constant 0 : i32
      %sign3A_136 = arith.cmpi sgt, %scan3A_86, %sign3A : i32
      %sign3A_137 = arith.extui %sign3A_136 : i1 to i32
      %sign3A_138 = arith.constant 0 : i32
      %sign3A_139 = arith.cmpi slt, %scan3A_86, %sign3A_138 : i32
      %sign3A_140 = arith.extui %sign3A_139 : i1 to i32
      %sign3A_141 = arith.subi %sign3A_137, %sign3A_140 : i32
      %sign3A_142 = arith.constant 0 : i32
      %sign3A_143 = arith.cmpi sgt, %jit3A_135, %sign3A_142 : i32
      %sign3A_144 = arith.extui %sign3A_143 : i1 to i32
      %sign3A_145 = arith.constant 0 : i32
      %sign3A_146 = arith.cmpi slt, %jit3A_135, %sign3A_145 : i32
      %sign3A_147 = arith.extui %sign3A_146 : i1 to i32
      %sign3A_148 = arith.subi %sign3A_144, %sign3A_147 : i32
      %ne3A_149 = arith.cmpi ne, %sign3A_141, %sign3A_148 : i32
      %rem3A_150 = arith.remsi %scan3A_86, %jit3A_135 : i32
      %ne3A_151 = arith.constant 0 : i32
      %ne3A_152 = arith.cmpi ne, %rem3A_150, %ne3A_151 : i32
      %and3A_153 = arith.andi %ne3A_149, %ne3A_152 : i1
      %sub3A = arith.constant 1 : i32
      %sub3A_154 = arith.subi %div3A, %sub3A : i32
      %select_n3A_155 = arith.select %and3A_153, %sub3A_154, %div3A : i32
      %mul3A_156 = arith.constant 16384 : i32
      %mul3A_157 = arith.muli %select_n3A_155, %mul3A_156 : i32
      %add3A_158 = arith.addi %mul3A_157, %mul3A_2 : i32
      %jit3A_159 = arith.constant 2 : i32
      %eq3A_160 = arith.constant 0 : i32
      %eq3A_161 = arith.cmpi eq, %jit3A_159, %eq3A_160 : i32
      %jit3A_162 = arith.constant 1 : i32
      %select_n3A_163 = arith.select %eq3A_161, %jit3A_162, %jit3A_159 : i32
      %rem3A_164 = arith.remsi %scan3A_86, %select_n3A_163 : i32
      %ne3A_165 = arith.constant 0 : i32
      %ne3A_166 = arith.cmpi ne, %rem3A_164, %ne3A_165 : i32
      %lt3A_167 = arith.constant 0 : i32
      %lt3A_168 = arith.cmpi slt, %rem3A_164, %lt3A_167 : i32
      %lt3A_169 = arith.constant 0 : i32
      %lt3A_170 = arith.cmpi slt, %select_n3A_163, %lt3A_169 : i32
      %ne3A_171 = arith.xori %lt3A_168, %lt3A_170 : i1
      %and3A_172 = arith.andi %ne3A_171, %ne3A_166 : i1
      %add3A_173 = arith.addi %rem3A_164, %select_n3A_163 : i32
      %select_n3A_174 = arith.select %and3A_172, %add3A_173, %rem3A_164 : i32
      %mul3A_175 = arith.constant 256 : i32
      %mul3A_176 = arith.muli %select_n3A_174, %mul3A_175 : i32
      %add3A_177 = arith.addi %add3A_158, %mul3A_176 : i32
      %dma_start3A_178 = arith.constant 0 : i32
      %dma_start3A_179 = arith.constant 0 : i32
      %dma_start3A_180 = tpu.memref_slice %arg6[%select_n3A_95, %dma_start3A_178, %dma_start3A_179] : memref<3x256x128xf32, #tpu.memory_space<vmem>> -> memref<1x256x128xf32, #tpu.memory_space<vmem>>
      %dma_start3A_181 = tpu.memref_squeeze %dma_start3A_180 : memref<1x256x128xf32, #tpu.memory_space<vmem>> -> memref<256x128xf32, #tpu.memory_space<vmem>>
      %dma_start3A_182 = arith.constant 0 : i32
      %dma_start3A_183 = tpu.memref_slice %arg4[%add3A_177, %dma_start3A_182] : memref<638976x128xf32, #tpu.memory_space<hbm>> -> memref<256x128xf32, #tpu.memory_space<hbm>>
      %dma_start3A_184 = tpu.memref_slice %arg8[%select_n3A_95] : memref<3x!tpu.dma_semaphore, #tpu.memory_space<semaphore_mem>> -> memref<1x!tpu.dma_semaphore, #tpu.memory_space<semaphore_mem>>
      %dma_start3A_185 = tpu.memref_squeeze %dma_start3A_184 : memref<1x!tpu.dma_semaphore, #tpu.memory_space<semaphore_mem>> -> memref<!tpu.dma_semaphore, #tpu.memory_space<semaphore_mem>>
      %dma_start3A_186 = arith.constant 0 : i32
      %dma_start3A_187 = tpu.memref_slice %arg4[%add3A_177, %dma_start3A_186] : memref<638976x128xf32, #tpu.memory_space<hbm>> -> memref<256x128xf32, #tpu.memory_space<hbm>>
      %dma_start3A_188 = arith.constant 0 : i32
      %dma_start3A_189 = arith.constant 0 : i32
      %dma_start3A_190 = tpu.memref_slice %arg6[%select_n3A_95, %dma_start3A_188, %dma_start3A_189] : memref<3x256x128xf32, #tpu.memory_space<vmem>> -> memref<1x256x128xf32, #tpu.memory_space<vmem>>
      %dma_start3A_191 = tpu.memref_squeeze %dma_start3A_190 : memref<1x256x128xf32, #tpu.memory_space<vmem>> -> memref<256x128xf32, #tpu.memory_space<vmem>>
      tpu.enqueue_dma source(%dma_start3A_191 : memref<256x128xf32, #tpu.memory_space<vmem>>) target(%dma_start3A_187 : memref<256x128xf32, #tpu.memory_space<hbm>>) target_semaphore(%dma_start3A_185 : memref<!tpu.dma_semaphore, #tpu.memory_space<semaphore_mem>>)
    }
    %scan3A_66 = arith.constant 52 : i32
    %add3A_67 = arith.constant 409600 : i32
    %add3A_68 = arith.addi %add3A_67, %mul3A_2 : i32
    %add3A_69 = arith.constant 256 : i32
    %add3A_70 = arith.addi %add3A_68, %add3A_69 : i32
    %dma_wait3A = arith.constant 0 : i32
    %dma_wait3A_71 = arith.constant 0 : i32
    %dma_wait3A_72 = arith.constant 0 : i32
    %dma_wait3A_73 = arith.constant 0 : i32
    %dma_wait3A_74 = tpu.memref_slice %arg6[%dma_wait3A, %dma_wait3A_72, %dma_wait3A_73] : memref<3x256x128xf32, #tpu.memory_space<vmem>> -> memref<1x256x128xf32, #tpu.memory_space<vmem>>
    %dma_wait3A_75 = tpu.memref_squeeze %dma_wait3A_74 : memref<1x256x128xf32, #tpu.memory_space<vmem>> -> memref<256x128xf32, #tpu.memory_space<vmem>>
    %dma_wait3A_76 = arith.constant 0 : i32
    %dma_wait3A_77 = tpu.memref_slice %arg4[%add3A_70, %dma_wait3A_76] : memref<638976x128xf32, #tpu.memory_space<hbm>> -> memref<256x128xf32, #tpu.memory_space<hbm>>
    %dma_wait3A_78 = tpu.memref_slice %arg8[%dma_wait3A_71] : memref<3x!tpu.dma_semaphore, #tpu.memory_space<semaphore_mem>> -> memref<1x!tpu.dma_semaphore, #tpu.memory_space<semaphore_mem>>
    %dma_wait3A_79 = tpu.memref_squeeze %dma_wait3A_78 : memref<1x!tpu.dma_semaphore, #tpu.memory_space<semaphore_mem>> -> memref<!tpu.dma_semaphore, #tpu.memory_space<semaphore_mem>>
    %dma_wait3A_80 = arith.constant 0 : i32
    %dma_wait3A_81 = tpu.memref_slice %arg4[%add3A_70, %dma_wait3A_80] : memref<638976x128xf32, #tpu.memory_space<hbm>> -> memref<256x128xf32, #tpu.memory_space<hbm>>
    %dma_wait3A_82 = arith.constant 0 : i32
    %dma_wait3A_83 = arith.constant 0 : i32
    %dma_wait3A_84 = tpu.memref_slice %arg6[%dma_wait3A, %dma_wait3A_82, %dma_wait3A_83] : memref<3x256x128xf32, #tpu.memory_space<vmem>> -> memref<1x256x128xf32, #tpu.memory_space<vmem>>
    %dma_wait3A_85 = tpu.memref_squeeze %dma_wait3A_84 : memref<1x256x128xf32, #tpu.memory_space<vmem>> -> memref<256x128xf32, #tpu.memory_space<vmem>>
    tpu.wait_dma2 semaphore(%dma_wait3A_79 : memref<!tpu.dma_semaphore, #tpu.memory_space<semaphore_mem>>) src(%dma_wait3A_85 : memref<256x128xf32, #tpu.memory_space<vmem>>) dst(%dma_wait3A_81 : memref<256x128xf32, #tpu.memory_space<hbm>>)
    return
  }
}

module attributes {stable_mosaic.version = 14 : i64} {
  func.func @_num_body(%arg0: i32, %arg1: memref<638976x128xf32, #tpu.memory_space<any>>, %arg2: memref<1x1x16384xf32, #tpu.memory_space<vmem>>, %arg3: memref<1x1x128xf32, #tpu.memory_space<vmem>>, %arg4: memref<1x1x128xf32, #tpu.memory_space<vmem>>, %arg5: memref<16384x128xf32, #tpu.memory_space<vmem>>) attributes {dimension_semantics = [#tpu.dimension_semantics<arbitrary>], iteration_bounds = array<i64: 13>, scalar_prefetch = 0 : i64, scratch_operands = 0 : i64, tpu.core_type = #tpu.core_type<tc>, window_params = [{}, {transform_indices = @transform_1, window_bounds = array<i64: 1, 1, 16384>}, {transform_indices = @transform_2, window_bounds = array<i64: 1, 1, 128>}, {transform_indices = @transform_3, window_bounds = array<i64: 1, 1, 128>}, {transform_indices = @transform_4, window_bounds = array<i64: 16384, 128>}]} {
    %get3A = arith.constant 0 : index
    %get3A_0 = arith.constant 0 : index
    %get3A_1 = arith.constant 0 : index
    %get3A_2 = vector.load %arg2[%get3A, %get3A_0, %get3A_1] : memref<1x1x16384xf32, #tpu.memory_space<vmem>>, vector<1x1x16384xf32>
    %squeeze3A = vector.shape_cast %get3A_2 : vector<1x1x16384xf32> to vector<16384xf32>
    %broadcast_in_dim3A = vector.shape_cast %squeeze3A : vector<16384xf32> to vector<16384x1xf32>
    %get3A_3 = arith.constant 0 : index
    %get3A_4 = arith.constant 0 : index
    %get3A_5 = arith.constant 0 : index
    %get3A_6 = vector.load %arg3[%get3A_3, %get3A_4, %get3A_5] : memref<1x1x128xf32, #tpu.memory_space<vmem>>, vector<1x1x128xf32>
    %squeeze3A_7 = vector.shape_cast %get3A_6 : vector<1x1x128xf32> to vector<1x128xf32>
    %mul3A = vector.broadcast %broadcast_in_dim3A : vector<16384x1xf32> to vector<16384x128xf32>
    %mul3A_8 = vector.broadcast %squeeze3A_7 : vector<1x128xf32> to vector<16384x128xf32>
    %mul3A_9 = arith.mulf %mul3A, %mul3A_8 : vector<16384x128xf32>
    %get3A_10 = arith.constant 0 : index
    %get3A_11 = arith.constant 0 : index
    %get3A_12 = arith.constant 0 : index
    %get3A_13 = vector.load %arg4[%get3A_10, %get3A_11, %get3A_12] : memref<1x1x128xf32, #tpu.memory_space<vmem>>, vector<1x1x128xf32>
    %squeeze3A_14 = vector.shape_cast %get3A_13 : vector<1x1x128xf32> to vector<1x128xf32>
    %add3A = vector.broadcast %squeeze3A_14 : vector<1x128xf32> to vector<16384x128xf32>
    %add3A_15 = arith.addf %mul3A_9, %add3A : vector<16384x128xf32>
    %swap3A = arith.constant 0 : index
    %swap3A_16 = arith.constant 0 : index
    %swap3A_17 = vector.load %arg5[%swap3A, %swap3A_16] : memref<16384x128xf32, #tpu.memory_space<vmem>>, vector<16384x128xf32>
    tpu.vector_store %arg5[%swap3A, %swap3A_16], %add3A_15 {strides = array<i32>} : memref<16384x128xf32, #tpu.memory_space<vmem>>, vector<16384x128xf32>,
    return
  }
  func.func @transform_1(%arg0: i32) -> (i32, i32, i32) {
    %jit3A = arith.constant 1 : i32
    %div3A = arith.divsi %arg0, %jit3A : i32
    %sign3A = arith.constant 0 : i32
    %sign3A_0 = arith.cmpi sgt, %arg0, %sign3A : i32
    %sign3A_1 = arith.extui %sign3A_0 : i1 to i32
    %sign3A_2 = arith.constant 0 : i32
    %sign3A_3 = arith.cmpi slt, %arg0, %sign3A_2 : i32
    %sign3A_4 = arith.extui %sign3A_3 : i1 to i32
    %sign3A_5 = arith.subi %sign3A_1, %sign3A_4 : i32
    %sign3A_6 = arith.constant 0 : i32
    %sign3A_7 = arith.cmpi sgt, %jit3A, %sign3A_6 : i32
    %sign3A_8 = arith.extui %sign3A_7 : i1 to i32
    %sign3A_9 = arith.constant 0 : i32
    %sign3A_10 = arith.cmpi slt, %jit3A, %sign3A_9 : i32
    %sign3A_11 = arith.extui %sign3A_10 : i1 to i32
    %sign3A_12 = arith.subi %sign3A_8, %sign3A_11 : i32
    %ne3A = arith.cmpi ne, %sign3A_5, %sign3A_12 : i32
    %rem3A = arith.remsi %arg0, %jit3A : i32
    %ne3A_13 = arith.constant 0 : i32
    %ne3A_14 = arith.cmpi ne, %rem3A, %ne3A_13 : i32
    %and3A = arith.andi %ne3A, %ne3A_14 : i1
    %sub3A = arith.constant 1 : i32
    %sub3A_15 = arith.subi %div3A, %sub3A : i32
    %select_n3A = arith.select %and3A, %sub3A_15, %div3A : i32
    %mul3A = arith.constant 1 : i32
    %mul3A_16 = arith.muli %select_n3A, %mul3A : i32
    %jit3A_17 = arith.constant 1 : i32
    %eq3A = arith.constant 0 : i32
    %eq3A_18 = arith.cmpi eq, %jit3A_17, %eq3A : i32
    %jit3A_19 = arith.constant 1 : i32
    %select_n3A_20 = arith.select %eq3A_18, %jit3A_19, %jit3A_17 : i32
    %rem3A_21 = arith.remsi %arg0, %select_n3A_20 : i32
    %ne3A_22 = arith.constant 0 : i32
    %ne3A_23 = arith.cmpi ne, %rem3A_21, %ne3A_22 : i32
    %lt3A = arith.constant 0 : i32
    %lt3A_24 = arith.cmpi slt, %rem3A_21, %lt3A : i32
    %lt3A_25 = arith.constant 0 : i32
    %lt3A_26 = arith.cmpi slt, %select_n3A_20, %lt3A_25 : i32
    %ne3A_27 = arith.xori %lt3A_24, %lt3A_26 : i1
    %and3A_28 = arith.andi %ne3A_27, %ne3A_23 : i1
    %add3A = arith.addi %rem3A_21, %select_n3A_20 : i32
    %select_n3A_29 = arith.select %and3A_28, %add3A, %rem3A_21 : i32
    %add3A_30 = arith.addi %mul3A_16, %select_n3A_29 : i32
    %c0_i32 = arith.constant 0 : i32
    %c0_i32_31 = arith.constant 0 : i32
    %c0_i32_32 = arith.constant 0 : i32
    return %add3A_30, %c0_i32, %c0_i32_31 : i32, i32, i32
  }
  func.func @transform_2(%arg0: i32) -> (i32, i32, i32) {
    %jit3A = arith.constant 1 : i32
    %div3A = arith.divsi %arg0, %jit3A : i32
    %sign3A = arith.constant 0 : i32
    %sign3A_0 = arith.cmpi sgt, %arg0, %sign3A : i32
    %sign3A_1 = arith.extui %sign3A_0 : i1 to i32
    %sign3A_2 = arith.constant 0 : i32
    %sign3A_3 = arith.cmpi slt, %arg0, %sign3A_2 : i32
    %sign3A_4 = arith.extui %sign3A_3 : i1 to i32
    %sign3A_5 = arith.subi %sign3A_1, %sign3A_4 : i32
    %sign3A_6 = arith.constant 0 : i32
    %sign3A_7 = arith.cmpi sgt, %jit3A, %sign3A_6 : i32
    %sign3A_8 = arith.extui %sign3A_7 : i1 to i32
    %sign3A_9 = arith.constant 0 : i32
    %sign3A_10 = arith.cmpi slt, %jit3A, %sign3A_9 : i32
    %sign3A_11 = arith.extui %sign3A_10 : i1 to i32
    %sign3A_12 = arith.subi %sign3A_8, %sign3A_11 : i32
    %ne3A = arith.cmpi ne, %sign3A_5, %sign3A_12 : i32
    %rem3A = arith.remsi %arg0, %jit3A : i32
    %ne3A_13 = arith.constant 0 : i32
    %ne3A_14 = arith.cmpi ne, %rem3A, %ne3A_13 : i32
    %and3A = arith.andi %ne3A, %ne3A_14 : i1
    %sub3A = arith.constant 1 : i32
    %sub3A_15 = arith.subi %div3A, %sub3A : i32
    %select_n3A = arith.select %and3A, %sub3A_15, %div3A : i32
    %c0_i32 = arith.constant 0 : i32
    %c0_i32_16 = arith.constant 0 : i32
    %c0_i32_17 = arith.constant 0 : i32
    return %select_n3A, %c0_i32, %c0_i32_16 : i32, i32, i32
  }
  func.func @transform_3(%arg0: i32) -> (i32, i32, i32) {
    %jit3A = arith.constant 1 : i32
    %div3A = arith.divsi %arg0, %jit3A : i32
    %sign3A = arith.constant 0 : i32
    %sign3A_0 = arith.cmpi sgt, %arg0, %sign3A : i32
    %sign3A_1 = arith.extui %sign3A_0 : i1 to i32
    %sign3A_2 = arith.constant 0 : i32
    %sign3A_3 = arith.cmpi slt, %arg0, %sign3A_2 : i32
    %sign3A_4 = arith.extui %sign3A_3 : i1 to i32
    %sign3A_5 = arith.subi %sign3A_1, %sign3A_4 : i32
    %sign3A_6 = arith.constant 0 : i32
    %sign3A_7 = arith.cmpi sgt, %jit3A, %sign3A_6 : i32
    %sign3A_8 = arith.extui %sign3A_7 : i1 to i32
    %sign3A_9 = arith.constant 0 : i32
    %sign3A_10 = arith.cmpi slt, %jit3A, %sign3A_9 : i32
    %sign3A_11 = arith.extui %sign3A_10 : i1 to i32
    %sign3A_12 = arith.subi %sign3A_8, %sign3A_11 : i32
    %ne3A = arith.cmpi ne, %sign3A_5, %sign3A_12 : i32
    %rem3A = arith.remsi %arg0, %jit3A : i32
    %ne3A_13 = arith.constant 0 : i32
    %ne3A_14 = arith.cmpi ne, %rem3A, %ne3A_13 : i32
    %and3A = arith.andi %ne3A, %ne3A_14 : i1
    %sub3A = arith.constant 1 : i32
    %sub3A_15 = arith.subi %div3A, %sub3A : i32
    %select_n3A = arith.select %and3A, %sub3A_15, %div3A : i32
    %c0_i32 = arith.constant 0 : i32
    %c0_i32_16 = arith.constant 0 : i32
    %c0_i32_17 = arith.constant 0 : i32
    return %select_n3A, %c0_i32, %c0_i32_16 : i32, i32, i32
  }
  func.func @transform_4(%arg0: i32) -> (i32, i32) {
    %add3A = arith.constant 26 : i32
    %add3A_0 = arith.addi %add3A, %arg0 : i32
    %c0_i32 = arith.constant 0 : i32
    %c0_i32_1 = arith.constant 0 : i32
    return %add3A_0, %c0_i32 : i32, i32
  }
}

</mosaic_0001>

<sc_bundles>
// kernel: kernel.4.cloned.1.call-start
scs
__scs_entry_jumppad:
0x0: {  	(pc) =	sbr.rel $0x88, $3  }
0x1: {  	(tag) =	ssettag $0x0;
	lr =	simm.s32 $0x1  }
0x2: {  	[smem:$0x3F9A] =	sst lr;
	_ =	strace $0xD0000000  }
0x3: {  	_ = 	snop  }
0x4: {  	_ = 	snop  }
0x5: {  	_ = 	snop  }
0x6: {  	_ = 	snop  }
0x7: {  	_ = 	snop  }
__scs_overlays_trampoline_lowered:
0x8: {  	[smem:$0x3FA9] =	sst s0  }
0x9: {  	[smem:$0x3FAA] =	sst s1  }
0xa: {  	[smem:$0x3FAB] =	sst s2  }
0xb: {  	[smem:$0x3FAC] =	sst s3  }
0xc: {  	[smem:$0x3FAD] =	sst s4  }
0xd: {  	[smem:$0x3FAE] =	sst s5  }
0xe: {  	[smem:$0x3FAF] =	sst s6  }
0xf: {  	[smem:$0x3FB0] =	sst s7  }
0x10: {  	[smem:$0x3FB1] =	sst s8  }
0x11: {  	[smem:$0x3FB2] =	sst s9;
	s0 =	simm.s32 @!p0 $0x0  }
0x12: {  	s1 =	sld [smem:$0x3F98];
	s0 =	simm.s32 @p0 $0x1  }
0x13: {  	[smem:$0x3FB3] =	sst s0;
	s0 =	simm.s32 @!p1 $0x0  }
0x14: {  	s2 =	sld [smem:$0x3F97];
	s0 =	simm.s32 @p1 $0x1  }
0x15: {  	[smem:$0x3FB4] =	sst s0;
	s0 =	simm.s32 @!p2 $0x0  }
0x16: {  	s3 =	sld [smem:$0x3FDB];
	s0 =	simm.s32 @p2 $0x1  }
0x17: {  	s4 =	simm.s32 $0x1BF5;
	[smem:$0x3FB6] =	sst s0  }
0x18: {  	s0 =	sld [smem:$0x3F99];
	_ =	swait.ge [sflag:s4], $0x0  }
0x19: {  	s7 =	sld [smem:$0x3F9A]  }
0x1a: {  	s8 =	sadd.s32 $0xFFFFE003, lr  }
0x1b: {  	s9 =	sadd.s32 $0xFFFFFEF7, lr;
	s5 =	simm.s32 $0xFFFFFFFF;
	p2 =	slt.u32 s8, $0xFFFFF086  }
0x1c: {  	p1 =	slt.u32 s9, $0xF7A;
	s5 =	simm.s32 @!p2 $0x0  }
0x1d: {  	s5 =	simm.s32 @p1 $0x1;
	p0 =	seq.s32 s7, s2  }
0x1e: {  	s7 =	smul.u32 @!p0 $0xF7A, s2;
	p2 =	seq.s32 @!p0 s5, $0x0  }
0x1f: {  	s9 =	smul.u32 $0xF7A, s1;
	s8 =	simm.s32 @!p0 $0x1BF5;
	p2 =	por !p2, p0  }
0x20: {  	[sflag:s8] =	ssyncset.s32 @!p0 $0xFFFFF086;
	s6 =	sadd.s32 @!p0 s3, s7;
	s7 =	simm.s32 @!p0 $0x108  }
0x21: {  	s3 =	sadd.s32 s3, s9;
	s6 =	sadd.s32 @!p0 $0x88, s6;
	s7 =	simm.s32 @p2 $0x1082  }
0x22: {  	[simem:s7], [sflag:s8] =	dma.local @!p0 [hbm:s6], $0xF7A  }
0x23: {  	s9 =	sor.u32 $0xD0000000, s2;
	s6 =	simm.s32 $0x108;
	_ =	swait.ge @!p0 [sflag:s8], $0x0  }
0x24: {  	s3 =	sadd.s32 $0x88, s3;
	s6 =	simm.s32 @!p1 $0x1082;
	[sflag:s4] =	ssyncset.s32 $0xFFFFF086  }
0x25: {  	[simem:s6], [sflag:s4] =	dma.local [hbm:s3], $0xF7A  }
0x26: {  	[smem:$0x3F9A] =	sst s1;
	(tag) =	ssettag s2;
	_ =	strace s9  }
0x27: {  	s1 =	sld [smem:$0x3FAA]  }
0x28: {  	s2 =	sld [smem:$0x3FAB]  }
0x29: {  	s4 =	sld [smem:$0x3FAD]  }
0x2a: {  	p0 =	seq.s32 s5, $0x0;
	s5 =	sld [smem:$0x3FAE]  }
0x2b: {  	s6 =	sld [smem:$0x3FAF]  }
0x2c: {  	s7 =	sld [smem:$0x3FB0]  }
0x2d: {  	s3 =	simm.s32 $0x108;
	s8 =	sld [smem:$0x3FB1]  }
0x2e: {  	s3 =	simm.s32 @!p0 $0x1082;
	s9 =	sld [smem:$0x3FB2]  }
0x2f: {  	lr =	sadd.s32 s0, s3;
	s0 =	sld [smem:$0x3FA9]  }
0x30: {  	s3 =	sld [smem:$0x3FAC]  }
0x31: {  	[smem:$0x3FB5] =	sst s10  }
0x32: {  	s10 =	sld [smem:$0x3FB3];
	_ =	sdelay $0x3  }
0x33: {  	p0 =	seq.s32 s10, $0x1;
	s10 =	sld [smem:$0x3FB5];
	_ =	sdelay $0x3  }
0x34: {  	[smem:$0x3FB5] =	sst s10  }
0x35: {  	s10 =	sld [smem:$0x3FB4];
	_ =	sdelay $0x3  }
0x36: {  	p1 =	seq.s32 s10, $0x1;
	s10 =	sld [smem:$0x3FB5];
	_ =	sdelay $0x3  }
0x37: {  	[smem:$0x3FB5] =	sst s10  }
0x38: {  	s10 =	sld [smem:$0x3FB6]  }
0x39: {  	_ = 	snop;
	(pc) =	sbr.ind lr, $3  }
0x3a: {  	_ = 	snop  }
0x3b: {  	_ = 	snop  }
0x3c: {  	p2 =	seq.s32 s10, $0x1;
	s10 =	sld [smem:$0x3FB5]  }
0x3d: {  	_ =	shalt  }
0x3e: {  	_ =	shalt  }
0x3f: {  	_ =	shalt  }
0x40: {  	_ =	shalt  }
0x41: {  	_ =	shalt  }
0x42: {  	_ =	shalt  }
0x43: {  	_ =	shalt  }
0x44: {  	_ =	shalt  }
0x45: {  	_ =	shalt  }
0x46: {  	_ =	shalt  }
0x47: {  	_ =	shalt  }
0x48: {  	_ =	shalt  }
0x49: {  	_ =	shalt  }
0x4a: {  	_ =	shalt  }
0x4b: {  	_ =	shalt  }
0x4c: {  	_ =	shalt  }
0x4d: {  	_ =	shalt  }
0x4e: {  	_ =	shalt  }
0x4f: {  	_ =	shalt  }
0x50: {  	_ =	shalt  }
0x51: {  	_ =	shalt  }
0x52: {  	_ =	shalt  }
0x53: {  	_ =	shalt  }
0x54: {  	_ =	shalt  }
0x55: {  	_ =	shalt  }
0x56: {  	_ =	shalt  }
0x57: {  	_ =	shalt  }
0x58: {  	_ =	shalt  }
0x59: {  	_ =	shalt  }
0x5a: {  	_ =	shalt  }
0x5b: {  	_ =	shalt  }
0x5c: {  	_ =	shalt  }
0x5d: {  	_ =	shalt  }
0x5e: {  	_ =	shalt  }
0x5f: {  	_ =	shalt  }
0x60: {  	_ =	shalt  }
0x61: {  	_ =	shalt  }
0x62: {  	_ =	shalt  }
0x63: {  	_ =	shalt  }
0x64: {  	_ =	shalt  }
0x65: {  	_ =	shalt  }
0x66: {  	_ =	shalt  }
0x67: {  	_ =	shalt  }
0x68: {  	_ =	shalt  }
0x69: {  	_ =	shalt  }
0x6a: {  	_ =	shalt  }
0x6b: {  	_ =	shalt  }
0x6c: {  	_ =	shalt  }
0x6d: {  	_ =	shalt  }
0x6e: {  	_ =	shalt  }
0x6f: {  	_ =	shalt  }
0x70: {  	_ =	shalt  }
0x71: {  	_ =	shalt  }
0x72: {  	_ =	shalt  }
0x73: {  	_ =	shalt  }
0x74: {  	_ =	shalt  }
0x75: {  	_ =	shalt  }
0x76: {  	_ =	shalt  }
0x77: {  	_ =	shalt  }
0x78: {  	_ =	shalt  }
0x79: {  	_ =	shalt  }
0x7a: {  	_ =	shalt  }
0x7b: {  	_ =	shalt  }
0x7c: {  	_ =	shalt  }
0x7d: {  	_ =	shalt  }
0x7e: {  	_ =	shalt  }
0x7f: {  	_ =	shalt  }
0x80: {  	_ =	shalt  }
0x81: {  	_ =	shalt  }
0x82: {  	_ =	shalt  }
0x83: {  	_ =	shalt  }
0x84: {  	_ =	shalt  }
0x85: {  	_ =	shalt  }
0x86: {  	_ =	shalt  }
0x87: {  	_ =	shalt  }
.Lfunc_end0:
.L_simem_size_0:
called_computation_lowered:
.L_overlay_start_0:
0x88: {  	s2 =	sld [smem:$0x3FD9]  }
0x89: {  	s3 =	sld [smem:$0x3FFE];
	_ =	sdelay $0x1  }
0x8a: {  	s1 =	srdreg.scid  }
0x8b: {  	s0 =	sand.u32 $0x1, s1  }
0x8c: {  	s17 =	sshll.u32 s0, $0xA;
	s2 =	sadd.s32 s3, s2  }
0x8d: {  	s2 =	sadd.s32 s2, s17  }
0x8e: {  	[smem:$0x3FC1] =	sst s2  }
0x8f: {  	_ = 	snop  }
0x90: {  	s2 =	sld [smem:$0x3FC7]  }
0x91: {  	s18 =	sld [smem:$0x3FD0];
	(tm) =	ssettm $0x1  }
0x92: {  	s4 =	sld [smem:$0x3FFB];
	_ =	sdelay $0x3  }
0x93: {  	_ =	strace s4  }
0x94: {  	s4 =	sld [smem:$0x3FFC];
	_ =	sdelay $0x3  }
0x95: {  	_ =	strace s4  }
0x96: {  	s4 =	sld [smem:$0x3FFD];
	_ =	sdelay $0x3  }
0x97: {  	_ =	strace s4  }
0x98: {  	_ =	strace $0x8FFFFFFF  }
0x99: {  	s19 =	sld [smem:$0x3FDB];
	_ =	sdelay $0x1  }
0x9a: {  	s5 =	simm.s32 $_scs_section_size  }
0x9b: {  	s6 =	simm.s32 $_size__tile_overlayer_lowered;
	s7 =	simm.s32 $_tile_overlayer_lowered  }
0x9c: {  	s22 =	simm.s32 $0x1BFF;
	s21 =	sshll.u32 s7, $0x1;
	s4 =	sadd.s32 s5, s19  }
0x9d: {  	s8 =	simm.s32 $0x0;
	s20 =	sshll.u32 s6, $0x1;
	s6 =	sadd.s32 s21, s4  }
0x9e: {  	[timem:s8], [sflag:s22] =	dma.local [hbm:s6], s20  }
0x9f: {  	_ =	swait.ge [sflag:s22], s20  }
0xa0: {  	s5 =	ssub.s32 $0x0, s20;
	[sflag:s22] =	ssyncset.done $0x0  }
0xa1: {  	[sflag:s22] =	ssyncadd.s32 s5;
	_ =	sdelay $0x1  }
0xa2: {  	s23 =	simm.s32 $0x1B8B  }
0xa3: {  	_ =	swait.ge [sflag:s23], $0x1  }
0xa4: {  	[sflag:s23] =	ssyncset.done $0x0  }
0xa5: {  	s25 =	simm.s32 $0x1B8E;
	s24 =	sld [smem:$0x3FFE];
	[sflag:s23] =	ssyncadd.s32 $0xFFFFFFFF  }
0xa6: {  	s26 =	simm.s32 $execute0_lowered;
	[smem:$0x3FD2] =	sst s25  }
0xa7: {  	s6 =	sshll.u32 s26, $0x1;
	_ =	strace $0x80000046;
	[dreg:$0x1] =	wrdreg $0xFFFFFFFF  }
0xa8: {  	s28 =	simm.s32 $_size_execute0_lowered;
	s4 =	sadd.s32 s4, s6;
	[dreg:$0x0] =	wrdreg $0x0  }
0xa9: {  	s6 =	sshll.u32 s28, $0x1;
	[dreg:$0x2] =	wrdreg s4  }
0xaa: {  	[dreg:$0x3] =	wrdreg s6  }
0xab: {  	[dreg:$0x4] =	wrdreg $0xC0  }
0xac: {  	_ =	task [dreg:s8], $0x5FFFF  }
0xad: {  	[dreg:$0x1] =	wrdreg $0xFFFFFFFF  }
0xae: {  	[dreg:$0x0] =	wrdreg $0x60  }
0xaf: {  	[dreg:$0x2] =	wrdreg s2  }
0xb0: {  	[dreg:$0x3] =	wrdreg s24  }
0xb1: {  	[dreg:$0x4] =	wrdreg s18  }
0xb2: {  	[dreg:$0x5] =	wrdreg $0x9  }
0xb3: {  	_ =	task.clear_ibuf [dreg:s8], $0x6FFFF;
	_ =	strace $0x90000046  }
0xb4: {  	s29 =	simm.s32 $0x9;
	_ =	strace $0x80000048  }
0xb5: {  	_ =	swait.ge [sflag:s29], $0x1  }
0xb6: {  	[sflag:s29] =	ssyncadd.s32 $0xFFFFFFFF  }
0xb7: {  	_ =	strace $0x90000048  }
0xb8: {  	_ =	sfence  }
0xb9: {  	s30 =	sld [smem:$0x0];
	_ =	sdelay $0x2  }
0xba: {  	s31 =	sshll.u32 s1, $0xD;
	s1 =	sshrl.u32 s1, $0x2  }
0xbb: {  	s3 =	sand.u32 $0x4000, s31;
	s1 =	sadd.s32 s1, s30  }
0xbc: {  	s0 =	sor.u32 s3, s0;
	s1 =	sshll.u32 s1, $0x11  }
0xbd: {  	s0 =	sor.u32 s1, s0  }
0xbe: {  	s0 =	sadd.s32 $0x8F2B, s0  }
0xbf: {  	[sflag:s0] =	ssyncadd.remote.s32 $0x1  }
0xc0: {  	_ =	sfence.sel $0xFFFF  }
0xc1: {  	[dreg:$0x0] =	wrdreg $0xFFFFFFFF;
	(pc) =	sbr.abs _section_cstart, $3  }
0xc2: {  	[dreg:$0x1] =	wrdreg $0xFFFFFFFF  }
0xc3: {  	_ =	task.clear_ibuf [dreg:s8], $0x2FFFF;
	_ =	strace $0x9FFFFFFF  }
0xc4: {  	(tm) =	ssettm $0x7FFFFFFF  }
0xc5: {  	_ =	shalt  }
tec
execute0_lowered:
.L_overlay_start_1:
0x0: {  	(tag) =	ssettag $0x1  }
0x1: {  	s1 =	rddreg [dreg:$0x0];
	s2 =	srdreg.scid  }
0x2: {  	s0 =	stileid.u32;
	s4 =	rddreg [dreg:$0x1]  }
0x3: {  	s6 =	rddreg [dreg:$0x2];
	s3 =	simm.s32 $0x0;
	s9 =	simm.s32 $0x3400  }
0x4: {  	s10 =	simm.s32 $0x7400;
	s11 =	simm.s32 $0x100;
	s12 =	simm.s32 $0xB400  }
0x5: {  	s13 =	simm.s32 $0x180;
	s14 =	simm.s32 $0xF400;
	s15 =	simm.s32 $0x4  }
0x6: {  	s5 =	sand.u32 $0x1, s2;
	s29 =	sshll.u32 s0, $0x1;
	s2 =	rddreg [dreg:$0x3]  }
0x7: {  	s16 =	simm.s32 $0x0;
	[smem:$0x7FF] =	sst s3;
	s7 =	sor.u32 s5, s29  }
0x8: {  	s5 =	ssub.s32 $0x2, s5;
	_ =	strace $0x80000047;
	s8 =	smul.u32 $0x680, s7  }
0x9: {  	s30 =	sshrl.u32 s5, $0x1;
	s31 =	sshll.u32 s7, $0xD;
	s7 =	simm.s32 $0x7  }
0xa: {  	s4 =	sadd.s32 s8, s4;
	s8 =	ssub.s32 s5, s30;
	s5 =	sadd.s32 s6, s31  }
0xb: {  	s4 =	sadd.s32 $0x1200, s4;
	s6 =	smax.u32 s8, $0x1;
	s8 =	simm.s32 $0x80  }
.LBB2_1:
0xc: {  	[tilespmem:s3], [sflag:$0x7] =	stream.linear.gather [hbm4b:s4+s3], $0x3400, $0x38;
	[tilespmem:$0x1B400] =	vst v63  }
0xd: {  	_ =	swait.ge [sflag:s7], $0x3400  }
0xe: {  	[sflag:s7] =	ssyncset.done $0x0  }
0xf: {  	[sflag:s7] =	ssyncadd.s32 $0xFFFFCC00  }
0x10: {  	[tilespmem:s9], [sflag:$0x1] =	stream.indirect.gather [hbm4b:s1+s8], $0x80, s3, s8, $0xb8;
	[tilespmem:$0x1B400] =	vst v63  }
0x11: {  	_ = 	snop  }
0x12: {  	[tilespmem:s10], [sflag:$0x1] =	stream.indirect.gather [hbm4b:s1+s8], $0x80, s8, s8, $0xb8;
	[tilespmem:$0x1B400] =	vst v63  }
0x13: {  	s17 =	simm.s32 $0x280  }
0x14: {  	[tilespmem:s12], [sflag:$0x2] =	stream.indirect.gather [hbm4b:s1+s8], $0x80, s11, s8, $0xb8;
	[tilespmem:$0x1B400] =	vst v63  }
0x15: {  	s18 =	simm.s32 $0x0;
	s19 =	simm.s32 $0x0;
	s20 =	simm.s32 $0x0  }
0x16: {  	[tilespmem:s14], [sflag:$0x2] =	stream.indirect.gather [hbm4b:s1+s8], $0x80, s13, s8, $0xb8;
	[tilespmem:$0x1B400] =	vst v63  }
.LBB2_2:
0x17: {  	p0 =	seq.s32 s20, $0x0  }
0x18: {  	s21 =	sadd.s32 @!p0 $0x2, s20  }
0x19: {  	s22 =	sand.u32 @!p0 $0xFF, s21  }
0x1a: {  	s22 =	smul.u32 @!p0 $0xAB, s22;
	_ =	sdelay $0x1  }
0x1b: {  	s22 =	sshrl.u32 @!p0 s22, $0x9  }
0x1c: {  	s22 =	smul.u32 @!p0 $0x3, s22;
	_ =	sdelay $0x1  }
0x1d: {  	s21 =	ssub.s32 @!p0 s21, s22  }
0x1e: {  	s21 =	sor.u32 @!p0 $0x4, s21  }
0x1f: {  	s21 =	sand.u32 @!p0 $0xFF, s21  }
0x20: {  	p1 =	sgt.u32 @!p0 s20, $0x31;
	_ =	swait.ge @!p0 [sflag:s21], $0x8000  }
0x21: {  	p1 =	por p0, !p1;
	[sflag:s21] =	ssyncset.done @!p0 $0x0  }
0x22: {  	[sflag:s21] =	ssyncadd.s32 @!p0 $0xFFFF8000;
	s21 =	sadd.s32 @p1 $0x2, s20  }
0x23: {  	s22 =	smul.u32 @p1 $0xAB, s21;
	_ =	sdelay $0x1  }
0x24: {  	s22 =	sshrl.u32 @p1 s22, $0x9  }
0x25: {  	s22 =	sand.u32 @p1 $0x7F, s22  }
0x26: {  	s22 =	smul.u32 @p1 $0x3, s22;
	_ =	sdelay $0x1  }
0x27: {  	s21 =	ssub.s32 @p1 s21, s22  }
0x28: {  	s21 =	sand.u32 @p1 $0xFF, s21  }
0x29: {  	s22 =	sshll.u32 @p1 s21, $0xF  }
0x2a: {  	s24 =	sadd.s32 @p1 $0xFFFFFF80, s17;
	s21 =	sadd.s32 @p1 $0x1, s21;
	s23 =	sor.u32 @p1 $0x3400, s22  }
0x2b: {  	[tilespmem:s23], [sflag:s21] =	stream.indirect.gather @p1 [hbm4b:s1+s8], $0x80, s24, s8, $0xb8;
	[tilespmem:$0x1B400] =	vst v63  }
0x2c: {  	s26 =	smul.u32 $0xAB, s20;
	s22 =	sor.u32 @p1 $0x7400, s22  }
0x2d: {  	[tilespmem:s22], [sflag:s21] =	stream.indirect.gather @p1 [hbm4b:s1+s8], $0x80, s17, s8, $0xb8;
	[tilespmem:$0x1B400] =	vst v63  }
0x2e: {  	s21 =	sshrl.u32 s26, $0x9  }
0x2f: {  	s21 =	sand.u32 $0x7F, s21  }
0x30: {  	s21 =	smul.u32 $0x3, s21;
	_ =	sdelay $0x1  }
0x31: {  	s21 =	ssub.s32 s20, s21  }
0x32: {  	s21 =	sand.u32 $0xFF, s21  }
0x33: {  	s29 =	sand.u32 $0x7C0000, s18;
	s28 =	sadd.s32 $0x1, s21  }
0x34: {  	s31 =	sand.u32 $0x1000, s19;
	s20 =	sadd.s32 $0x1, s20;
	_ =	swait.ge [sflag:s28], $0x4000  }
0x35: {  	s19 =	sadd.s32 $0x1000, s19;
	p0 =	sne.s32 s20, $0x34;
	[sflag:s28] =	ssyncset.done $0x0  }
.Ltmp0:
0x36: {  	s18 =	sadd.s32 $0x20000, s18;
	[sflag:s28] =	ssyncadd.s32 $0xFFFFC000;
	(pc) =	sbr.rel @p0 .LBB2_2-.Ltmp0, $4  }
0x37: {  	s22 =	sadd.s32 s29, s5;
	s17 =	sadd.s32 $0x100, s17;
	_ =	swait.ge [sflag:s28], $0x4000  }
0x38: {  	s22 =	sadd.s32 s31, s22;
	s30 =	sshll.u32 s21, $0xF;
	[sflag:s28] =	ssyncset.done $0x0  }
0x39: {  	s21 =	sadd.s32 $0x4, s21;
	s23 =	sor.u32 $0x3400, s30;
	[sflag:s28] =	ssyncadd.s32 $0xFFFFC000  }
0x3a: {  	[hbm4b:s22+s3] =	stream.linear.scatter [tilespmem:s23], [sflag:s21], $0x8000, $0x38;
	[tilespmem:$0x1B400] =	vst v63  }
0x3b: {  	s16 =	sadd.s32 $0x1, s16  }
0x3c: {  	p0 =	sne.s32 s16, s6  }
.Ltmp1:
0x3d: {  	_ = 	snop;
	(pc) =	sbr.rel @p0 .LBB2_1-.Ltmp1, $4  }
0x3e: {  	_ = 	snop  }
0x3f: {  	_ =	swait.ge [sflag:s15], $0x8000  }
0x40: {  	[sflag:s15] =	ssyncset.done $0x0  }
0x41: {  	[sflag:s15] =	ssyncadd.s32 $0xFFFF8000  }
0x42: {  	_ =	sfence.sel $0x180000  }
0x43: {  	[bflag:$0x0] =	sbarrier.arrive $0xFFFF  }
0x44: {  	p0 =	sne.s32 s0, $0x0;
	_ =	strace $0x90000047  }
0x45: {  	s0 =	sadd.s32 @!p0 $0x100000, s2;
	[bflag:$0x2] =	sbarrier.arrive $0xFFFF  }
0x46: {  	[sflag:s0] =	ssyncadd.tile.s32 @!p0 $0x1;
	_ =	shalt  }
.Lfunc_end2:
_tile_overlayer_lowered:
.L_overlay_start_2:
0x47: {  	(tag) =	ssettag $0x2  }
0x48: {  	s0 =	rddreg [dreg:$0x0];
	s2 =	stileid.u32  }
0x49: {  	s1 =	rddreg [dreg:$0x1];
	p0 =	sne.s32 s2, $0x0  }
0x4a: {  	s3 =	rddreg [dreg:$0x2];
	[bflag:$0x3] =	sbarrier.arrive $0xFFFF;
	s2 =	simm.s32 @!p0 $0x1C07  }
0x4b: {  	[timem:s3], [sflag:s2] =	dma.local @!p0 [hbm:s0], s1  }
0x4c: {  	s0 =	simm.s32 @!p0 $0x7  }
0x4d: {  	_ =	swait.ge @!p0 [sflag:s0], s1  }
0x4e: {  	s1 =	ssub.s32 @!p0 $0x0, s1;
	[sflag:s0] =	ssyncset.done @!p0 $0x0  }
0x4f: {  	[sflag:s0] =	ssyncadd.s32 @!p0 s1  }
0x50: {  	[bflag:$0x3] =	sbarrier.arrive $0xFFFF  }
0x51: {  	_ =	shalt  }

</sc_bundles>
